<compile_context>
chip_gen: v7x
topology: tpu7x:2x2x1
jax: 0.10.2.dev20260603
libtpu: 0.0.44.dev20260713+nightly
codegen_flags: <defaults>
</compile_context>

<pallas_src>
import functools

import numpy as np
import jax
import jax.numpy as jnp
from jax import lax
from jax.experimental import pallas as pl
from jax.experimental.pallas import tpu as pltpu
from jax.experimental.pallas import tpu_sc as plsc

_EPS = 1e-12


def _sinusoidal_pe(seq_len, dim):
    pos = np.arange(seq_len, dtype=np.float32)[:, None]
    i = np.arange(dim, dtype=np.float32)[None, :]
    angle = pos / np.power(10000.0, (2.0 * np.floor(i / 2.0)) / dim)
    pe = np.zeros((seq_len, dim), dtype=np.float32)
    pe[:, 0::2] = np.sin(angle[:, 0::2])
    pe[:, 1::2] = np.cos(angle[:, 1::2])
    return pe


_NW = 32


def _sc_gather(table, idx, chunk=64):
    n = idx.shape[0]
    d = table.shape[1]
    n_per_w = n // _NW
    n_chunks = n_per_w // chunk
    mesh = plsc.VectorSubcoreMesh(core_axis_name="c", subcore_axis_name="s")

    @functools.partial(
        pl.kernel,
        out_type=jax.ShapeDtypeStruct((n, d), table.dtype),
        mesh=mesh,
        scratch_types=[
            pltpu.VMEM((n_per_w,), jnp.int32),
            pltpu.VMEM((chunk, d), table.dtype),
        ],
    )
    def gather_kernel(table_hbm, i_hbm, o_hbm, idx_v, rows_v):
        wid = lax.axis_index("s") * 2 + lax.axis_index("c")
        base = wid * n_per_w
        pltpu.sync_copy(i_hbm.at[pl.ds(base, n_per_w)], idx_v)

        @pl.loop(0, n_chunks)
        def _(c):
            pltpu.sync_copy(table_hbm.at[idx_v.at[pl.ds(c * chunk, chunk)]], rows_v)
            pltpu.sync_copy(rows_v, o_hbm.at[pl.ds(base + c * chunk, chunk)])

    return gather_kernel(table, idx)


def _addln_body(x_ref, pe_ref, g_ref, b_ref, o_ref):
    x = x_ref[0] + pe_ref[...]
    mean = jnp.mean(x, axis=-1, keepdims=True)
    c = x - mean
    var = jnp.mean(c * c, axis=-1, keepdims=True)
    o_ref[0] = c * lax.rsqrt(var + _EPS) * g_ref[...] + b_ref[...]


def _tc_addln(gathered, pe, gamma, beta, bs=512):
    b, s, d = gathered.shape
    return pl.pallas_call(
        _addln_body,
        grid=(s // bs, b),
        in_specs=[
            pl.BlockSpec((1, bs, d), lambda i, j: (j, i, 0)),
            pl.BlockSpec((bs, d), lambda i, j: (i, 0)),
            pl.BlockSpec((1, d), lambda i, j: (0, 0)),
            pl.BlockSpec((1, d), lambda i, j: (0, 0)),
        ],
        out_specs=pl.BlockSpec((1, bs, d), lambda i, j: (j, i, 0)),
        out_shape=jax.ShapeDtypeStruct((b, s, d), jnp.float32),
    )(gathered, pe, gamma.reshape(1, d), beta.reshape(1, d))


def kernel(input_ids, table, ln_gamma, ln_beta):
    b, s = input_ids.shape
    d = table.shape[1]
    pe = jnp.asarray(_sinusoidal_pe(s, d))
    gathered = _sc_gather(table, input_ids.reshape(-1)).reshape(b, s, d)

    return _tc_addln(gathered, pe, ln_gamma, ln_beta)

# --- scband reference (transcript-rebuilt; emitter-appended) ---
"""Pipeline reference for scband-sinusoidal-embeddings-24902220383070 (READ-ONLY COPY).

The authoritative reference and input builder live on the scoring server;
editing this copy changes nothing except your own understanding.
"""

import jax, jax.numpy as jnp
import numpy as np

VOCAB = 100000
DIM = 768
B = 4
S = 8192
EPS = 1e-12


def sinusoidal_pe(seq_len, dim):
    pos = np.arange(seq_len, dtype=np.float32)[:, None]
    i = np.arange(dim, dtype=np.float32)[None, :]
    angle = pos / np.power(10000.0, (2.0 * np.floor(i / 2.0)) / dim)
    pe = np.zeros((seq_len, dim), dtype=np.float32)
    pe[:, 0::2] = np.sin(angle[:, 0::2])
    pe[:, 1::2] = np.cos(angle[:, 1::2])
    return jnp.asarray(pe)


def setup_inputs(seed: int = 0) -> dict:
    key = jax.random.key(seed)
    k1, k2 = jax.random.split(key)
    input_ids = jax.random.randint(k1, (B, S), 0, VOCAB, dtype=jnp.int32)
    table = jax.random.normal(k2, (VOCAB, DIM), dtype=jnp.float32) * 0.02
    ln_gamma = jnp.ones((DIM,), dtype=jnp.float32)
    ln_beta = jnp.zeros((DIM,), dtype=jnp.float32)
    return {"input_ids": input_ids, "table": table, "ln_gamma": ln_gamma, "ln_beta": ln_beta}


def reference(input_ids, table, ln_gamma, ln_beta):
    # word embedding lookup (gather)
    emb = jnp.take(table, input_ids, axis=0)  # [B, S, D]
    # sinusoidal positional embeddings (constant, added under no_grad in torch)
    pe = sinusoidal_pe(emb.shape[1], emb.shape[2])  # [S, D]
    emb = emb + pe[None, :, :]
    # LayerNorm
    mean = jnp.mean(emb, axis=-1, keepdims=True)
    var = jnp.mean(jnp.square(emb - mean), axis=-1, keepdims=True)
    normed = (emb - mean) / jnp.sqrt(var + EPS)
    out = normed * ln_gamma + ln_beta
    # dropout is identity in eval mode
    return out

if __name__ == "__main__":
    import jax
    _d = setup_inputs()
    print(jax.jit(kernel)(*tuple(_d.values())))

</pallas_src>

<mosaic_0001>
#map = affine_map<(d0, d1) -> (0, 0)>
#map1 = affine_map<(d0, d1) -> (0)>
module attributes {stable_mosaic.version = 14 : i64} {
  func.func @gather_kernel(%arg0: i32, %arg1: i32, %arg2: memref<100000x768xf32, #tpu.memory_space<hbm>>, %arg3: memref<32768xi32, #tpu.memory_space<hbm>>, %arg4: memref<32768x768xf32, #tpu.memory_space<hbm>>, %arg5: memref<1024xi32, #tpu.memory_space<vmem>>, %arg6: memref<64x768xf32, #tpu.memory_space<vmem>>) attributes {dimension_semantics = [#tpu.dimension_semantics<core_parallel>, #tpu.dimension_semantics<subcore_parallel>], iteration_bounds = array<i64: 2, 16>, scalar_prefetch = 0 : i64, scratch_operands = 2 : i64, tpu.core_type = #tpu.core_type<sc_vector_subcore>, window_params = [{transform_indices = #map}, {transform_indices = #map1}, {transform_indices = #map}]} {
    %mul3A = arith.constant 2 : i32
    %mul3A_0 = arith.muli %arg1, %mul3A : i32
    %add3A = arith.addi %mul3A_0, %arg0 : i32
    %mul3A_1 = arith.constant 1024 : i32
    %mul3A_2 = arith.muli %add3A, %mul3A_1 : i32
    "tpu.region"() ({
      %run_scoped3A = tpu.sem_alloc : memref<!tpu.dma_semaphore, #tpu.memory_space<semaphore_mem>>
      %dma_start3A = tpu.memref_slice %arg3[%mul3A_2] : memref<32768xi32, #tpu.memory_space<hbm>> -> memref<1024xi32, #tpu.memory_space<hbm>>
      %dma_start3A_7 = tpu.memref_slice %arg3[%mul3A_2] : memref<32768xi32, #tpu.memory_space<hbm>> -> memref<1024xi32, #tpu.memory_space<hbm>>
      tpu.enqueue_dma source(%dma_start3A_7 : memref<1024xi32, #tpu.memory_space<hbm>>) target(%arg5 : memref<1024xi32, #tpu.memory_space<vmem>>) target_semaphore(%run_scoped3A : memref<!tpu.dma_semaphore, #tpu.memory_space<semaphore_mem>>)
      %dma_wait3A = tpu.memref_slice %arg3[%mul3A_2] : memref<32768xi32, #tpu.memory_space<hbm>> -> memref<1024xi32, #tpu.memory_space<hbm>>
      %dma_wait3A_8 = tpu.memref_slice %arg3[%mul3A_2] : memref<32768xi32, #tpu.memory_space<hbm>> -> memref<1024xi32, #tpu.memory_space<hbm>>
      tpu.wait_dma2 semaphore(%run_scoped3A : memref<!tpu.dma_semaphore, #tpu.memory_space<semaphore_mem>>) src(%dma_wait3A_8 : memref<1024xi32, #tpu.memory_space<hbm>>) dst(%arg5 : memref<1024xi32, #tpu.memory_space<vmem>>)
      tpu.yield
    }) : () -> ()
    %scan3A = arith.constant 0 : i32
    %scan3A_3 = arith.constant 16 : i32
    %scan3A_4 = arith.addi %scan3A, %scan3A_3 : i32
    %scan3A_5 = arith.constant 1 : i32
    scf.for %scan3A_7 = %scan3A to %scan3A_4 step %scan3A_5  : i32 {
      %mul3A_8 = arith.constant 1 : i32
      %mul3A_9 = arith.muli %scan3A_7, %mul3A_8 : i32
      %add3A_10 = arith.constant 0 : i32
      %add3A_11 = arith.addi %add3A_10, %mul3A_9 : i32
      %mul3A_12 = arith.constant 64 : i32
      %mul3A_13 = arith.muli %add3A_11, %mul3A_12 : i32
      "tpu.region"() ({
        %run_scoped3A = tpu.sem_alloc : memref<!tpu.dma_semaphore, #tpu.memory_space<semaphore_mem>>
        %dma_start3A = tpu.memref_slice %arg5[%mul3A_13] : memref<1024xi32, #tpu.memory_space<vmem>> -> memref<64xi32, #tpu.memory_space<vmem>>
        %dma_start3A_17 = arith.constant 0 : i32
        %dma_start3A_18 = arith.constant 0 : i32
        %dma_start3A_19 = tpu.memref_slice %arg2[%dma_start3A_17, %dma_start3A_18] : memref<100000x768xf32, #tpu.memory_space<hbm>> -> memref<100000x768xf32, #tpu.memory_space<hbm>>
        tpu.enqueue_indirect_dma source(%dma_start3A_19 : memref<100000x768xf32, #tpu.memory_space<hbm>>) target(%arg6 : memref<64x768xf32, #tpu.memory_space<vmem>>) offsets(%dma_start3A : memref<64xi32, #tpu.memory_space<vmem>>) semaphore(%run_scoped3A : memref<!tpu.dma_semaphore, #tpu.memory_space<semaphore_mem>>)
        %dma_wait3A = tpu.memref_slice %arg5[%mul3A_13] : memref<1024xi32, #tpu.memory_space<vmem>> -> memref<64xi32, #tpu.memory_space<vmem>>
        %dma_wait3A_20 = arith.constant 0 : i32
        %dma_wait3A_21 = arith.constant 0 : i32
        %dma_wait3A_22 = tpu.memref_slice %arg2[%dma_wait3A_20, %dma_wait3A_21] : memref<100000x768xf32, #tpu.memory_space<hbm>> -> memref<100000x768xf32, #tpu.memory_space<hbm>>
        tpu.wait_indirect_dma semaphore(%run_scoped3A : memref<!tpu.dma_semaphore, #tpu.memory_space<semaphore_mem>>) src(%dma_wait3A_22 : memref<100000x768xf32, #tpu.memory_space<hbm>>) dst(%arg6 : memref<64x768xf32, #tpu.memory_space<vmem>>)
        tpu.yield
      }) : () -> ()
      %mul3A_14 = arith.constant 64 : i32
      %mul3A_15 = arith.muli %add3A_11, %mul3A_14 : i32
      %add3A_16 = arith.addi %mul3A_2, %mul3A_15 : i32
      "tpu.region"() ({
        %run_scoped3A = tpu.sem_alloc : memref<!tpu.dma_semaphore, #tpu.memory_space<semaphore_mem>>
        %dma_start3A = arith.constant 0 : i32
        %dma_start3A_17 = tpu.memref_slice %arg4[%add3A_16, %dma_start3A] : memref<32768x768xf32, #tpu.memory_space<hbm>> -> memref<64x768xf32, #tpu.memory_space<hbm>>
        %dma_start3A_18 = arith.constant 0 : i32
        %dma_start3A_19 = tpu.memref_slice %arg4[%add3A_16, %dma_start3A_18] : memref<32768x768xf32, #tpu.memory_space<hbm>> -> memref<64x768xf32, #tpu.memory_space<hbm>>
        tpu.enqueue_dma source(%arg6 : memref<64x768xf32, #tpu.memory_space<vmem>>) target(%dma_start3A_19 : memref<64x768xf32, #tpu.memory_space<hbm>>) target_semaphore(%run_scoped3A : memref<!tpu.dma_semaphore, #tpu.memory_space<semaphore_mem>>)
        %dma_wait3A = arith.constant 0 : i32
        %dma_wait3A_20 = tpu.memref_slice %arg4[%add3A_16, %dma_wait3A] : memref<32768x768xf32, #tpu.memory_space<hbm>> -> memref<64x768xf32, #tpu.memory_space<hbm>>
        %dma_wait3A_21 = arith.constant 0 : i32
        %dma_wait3A_22 = tpu.memref_slice %arg4[%add3A_16, %dma_wait3A_21] : memref<32768x768xf32, #tpu.memory_space<hbm>> -> memref<64x768xf32, #tpu.memory_space<hbm>>
        tpu.wait_dma2 semaphore(%run_scoped3A : memref<!tpu.dma_semaphore, #tpu.memory_space<semaphore_mem>>) src(%arg6 : memref<64x768xf32, #tpu.memory_space<vmem>>) dst(%dma_wait3A_22 : memref<64x768xf32, #tpu.memory_space<hbm>>)
        tpu.yield
      }) : () -> ()
    }
    %scan3A_6 = arith.constant 16 : i32
    return
  }
}

module attributes {stable_mosaic.version = 14 : i64} {
  func.func @_addln_body(%arg0: i32, %arg1: i32, %arg2: memref<1x512x768xf32, #tpu.memory_space<vmem>>, %arg3: memref<512x768xf32, #tpu.memory_space<vmem>>, %arg4: memref<1x768xf32, #tpu.memory_space<vmem>>, %arg5: memref<1x768xf32, #tpu.memory_space<vmem>>, %arg6: memref<1x512x768xf32, #tpu.memory_space<vmem>>) attributes {dimension_semantics = [#tpu.dimension_semantics<arbitrary>, #tpu.dimension_semantics<arbitrary>], iteration_bounds = array<i64: 16, 4>, scalar_prefetch = 0 : i64, scratch_operands = 0 : i64, tpu.core_type = #tpu.core_type<tc>, window_params = [{transform_indices = @transform_0, window_bounds = array<i64: 1, 512, 768>}, {transform_indices = @transform_1, window_bounds = array<i64: 512, 768>}, {pipeline_mode = #tpu.pipeline_mode<synchronous>, transform_indices = @transform_2, window_bounds = array<i64: 1, 768>}, {pipeline_mode = #tpu.pipeline_mode<synchronous>, transform_indices = @transform_3, window_bounds = array<i64: 1, 768>}, {transform_indices = @transform_4, window_bounds = array<i64: 1, 512, 768>}]} {
    %get3A = arith.constant 0 : index
    %get3A_0 = arith.constant 0 : index
    %get3A_1 = arith.constant 0 : index
    %get3A_2 = vector.load %arg2[%get3A, %get3A_0, %get3A_1] : memref<1x512x768xf32, #tpu.memory_space<vmem>>, vector<1x512x768xf32>
    %get3A_3 = vector.shape_cast %get3A_2 : vector<1x512x768xf32> to vector<512x768xf32>
    %get3A_4 = arith.constant 0 : index
    %get3A_5 = arith.constant 0 : index
    %get3A_6 = vector.load %arg3[%get3A_4, %get3A_5] : memref<512x768xf32, #tpu.memory_space<vmem>>, vector<512x768xf32>
    %add3A = arith.addf %get3A_3, %get3A_6 : vector<512x768xf32>
    %reduce_sum3A = arith.constant dense<0.000000e+00> : vector<512xf32>
    %reduce_sum3A_7 = vector.multi_reduction <add>, %add3A, %reduce_sum3A [1] : vector<512x768xf32> to vector<512xf32>
    %broadcast_in_dim3A = vector.shape_cast %reduce_sum3A_7 : vector<512xf32> to vector<512x1xf32>
    %div3A = arith.constant 7.680000e+02 : f32
    %div3A_8 = vector.broadcast %div3A : f32 to vector<512x1xf32>
    %div3A_9 = arith.divf %broadcast_in_dim3A, %div3A_8 : vector<512x1xf32>
    %sub3A = vector.broadcast %div3A_9 : vector<512x1xf32> to vector<512x768xf32>
    %sub3A_10 = arith.subf %add3A, %sub3A : vector<512x768xf32>
    %mul3A = arith.mulf %sub3A_10, %sub3A_10 : vector<512x768xf32>
    %reduce_sum3A_11 = arith.constant dense<0.000000e+00> : vector<512xf32>
    %reduce_sum3A_12 = vector.multi_reduction <add>, %mul3A, %reduce_sum3A_11 [1] : vector<512x768xf32> to vector<512xf32>
    %broadcast_in_dim3A_13 = vector.shape_cast %reduce_sum3A_12 : vector<512xf32> to vector<512x1xf32>
    %div3A_14 = arith.constant 7.680000e+02 : f32
    %div3A_15 = vector.broadcast %div3A_14 : f32 to vector<512x1xf32>
    %div3A_16 = arith.divf %broadcast_in_dim3A_13, %div3A_15 : vector<512x1xf32>
    %add3A_17 = arith.constant 9.99999996E-13 : f32
    %add3A_18 = vector.broadcast %add3A_17 : f32 to vector<512x1xf32>
    %add3A_19 = arith.addf %div3A_16, %add3A_18 : vector<512x1xf32>
    %rsqrt3A = math.rsqrt %add3A_19 : vector<512x1xf32>
    %mul3A_20 = vector.broadcast %rsqrt3A : vector<512x1xf32> to vector<512x768xf32>
    %mul3A_21 = arith.mulf %sub3A_10, %mul3A_20 : vector<512x768xf32>
    %get3A_22 = arith.constant 0 : index
    %get3A_23 = arith.constant 0 : index
    %get3A_24 = vector.load %arg4[%get3A_22, %get3A_23] : memref<1x768xf32, #tpu.memory_space<vmem>>, vector<1x768xf32>
    %mul3A_25 = vector.broadcast %get3A_24 : vector<1x768xf32> to vector<512x768xf32>
    %mul3A_26 = arith.mulf %mul3A_21, %mul3A_25 : vector<512x768xf32>
    %get3A_27 = arith.constant 0 : index
    %get3A_28 = arith.constant 0 : index
    %get3A_29 = vector.load %arg5[%get3A_27, %get3A_28] : memref<1x768xf32, #tpu.memory_space<vmem>>, vector<1x768xf32>
    %add3A_30 = vector.broadcast %get3A_29 : vector<1x768xf32> to vector<512x768xf32>
    %add3A_31 = arith.addf %mul3A_26, %add3A_30 : vector<512x768xf32>
    %swap3A = arith.constant 0 : index
    %swap3A_32 = arith.constant 0 : index
    %swap3A_33 = arith.constant 0 : index
    %swap3A_34 = vector.load %arg6[%swap3A, %swap3A_32, %swap3A_33] : memref<1x512x768xf32, #tpu.memory_space<vmem>>, vector<1x512x768xf32>
    %swap3A_35 = vector.shape_cast %swap3A_34 : vector<1x512x768xf32> to vector<512x768xf32>
    %swap3A_36 = vector.shape_cast %add3A_31 : vector<512x768xf32> to vector<1x512x768xf32>
    tpu.vector_store %arg6[%swap3A, %swap3A_32, %swap3A_33], %swap3A_36 {strides = array<i32>} : memref<1x512x768xf32, #tpu.memory_space<vmem>>, vector<1x512x768xf32>,
    return
  }
  func.func @transform_0(%arg0: i32, %arg1: i32) -> (i32, i32, i32) {
    %c0_i32 = arith.constant 0 : i32
    %c0_i32_0 = arith.constant 0 : i32
    return %arg1, %arg0, %c0_i32 : i32, i32, i32
  }
  func.func @transform_1(%arg0: i32, %arg1: i32) -> (i32, i32) {
    %c0_i32 = arith.constant 0 : i32
    %c0_i32_0 = arith.constant 0 : i32
    return %arg0, %c0_i32 : i32, i32
  }
  func.func @transform_2(%arg0: i32, %arg1: i32) -> (i32, i32) {
    %c0_i32 = arith.constant 0 : i32
    %c0_i32_0 = arith.constant 0 : i32
    %c0_i32_1 = arith.constant 0 : i32
    return %c0_i32, %c0_i32_0 : i32, i32
  }
  func.func @transform_3(%arg0: i32, %arg1: i32) -> (i32, i32) {
    %c0_i32 = arith.constant 0 : i32
    %c0_i32_0 = arith.constant 0 : i32
    %c0_i32_1 = arith.constant 0 : i32
    return %c0_i32, %c0_i32_0 : i32, i32
  }
  func.func @transform_4(%arg0: i32, %arg1: i32) -> (i32, i32, i32) {
    %c0_i32 = arith.constant 0 : i32
    %c0_i32_0 = arith.constant 0 : i32
    return %arg1, %arg0, %c0_i32 : i32, i32, i32
  }
}

</mosaic_0001>

<sc_bundles>
// kernel: kernel.4.cloned.1.call-start
scs
__scs_entry_jumppad:
0x0: {  	(pc) =	sbr.rel $0x88, $3  }
0x1: {  	(tag) =	ssettag $0x0;
	lr =	simm.s32 $0x1  }
0x2: {  	[smem:$0x3F9D] =	sst lr;
	_ =	strace $0xD0000000  }
0x3: {  	_ = 	snop  }
0x4: {  	_ = 	snop  }
0x5: {  	_ = 	snop  }
0x6: {  	_ = 	snop  }
0x7: {  	_ = 	snop  }
__scs_overlays_trampoline_lowered:
0x8: {  	[smem:$0x3FAC] =	sst s0  }
0x9: {  	[smem:$0x3FAD] =	sst s1  }
0xa: {  	[smem:$0x3FAE] =	sst s2  }
0xb: {  	[smem:$0x3FAF] =	sst s3  }
0xc: {  	[smem:$0x3FB0] =	sst s4  }
0xd: {  	[smem:$0x3FB1] =	sst s5  }
0xe: {  	[smem:$0x3FB2] =	sst s6  }
0xf: {  	[smem:$0x3FB3] =	sst s7  }
0x10: {  	[smem:$0x3FB4] =	sst s8  }
0x11: {  	[smem:$0x3FB5] =	sst s9;
	s0 =	simm.s32 @!p0 $0x0  }
0x12: {  	s1 =	sld [smem:$0x3F9B];
	s0 =	simm.s32 @p0 $0x1  }
0x13: {  	[smem:$0x3FB6] =	sst s0;
	s0 =	simm.s32 @!p1 $0x0  }
0x14: {  	s2 =	sld [smem:$0x3F9A];
	s0 =	simm.s32 @p1 $0x1  }
0x15: {  	[smem:$0x3FB7] =	sst s0;
	s0 =	simm.s32 @!p2 $0x0  }
0x16: {  	s3 =	sld [smem:$0x3FDB];
	s0 =	simm.s32 @p2 $0x1  }
0x17: {  	s4 =	simm.s32 $0x1BF5;
	[smem:$0x3FB9] =	sst s0  }
0x18: {  	s0 =	sld [smem:$0x3F9C];
	_ =	swait.ge [sflag:s4], $0x0  }
0x19: {  	s7 =	sld [smem:$0x3F9D]  }
0x1a: {  	s8 =	sadd.s32 $0xFFFFE003, lr  }
0x1b: {  	s9 =	sadd.s32 $0xFFFFFEF7, lr;
	s5 =	simm.s32 $0xFFFFFFFF;
	p2 =	slt.u32 s8, $0xFFFFF086  }
0x1c: {  	p1 =	slt.u32 s9, $0xF7A;
	s5 =	simm.s32 @!p2 $0x0  }
0x1d: {  	s5 =	simm.s32 @p1 $0x1;
	p0 =	seq.s32 s7, s2  }
0x1e: {  	s7 =	smul.u32 @!p0 $0xF7A, s2;
	p2 =	seq.s32 @!p0 s5, $0x0  }
0x1f: {  	s9 =	smul.u32 $0xF7A, s1;
	s8 =	simm.s32 @!p0 $0x1BF5;
	p2 =	por !p2, p0  }
0x20: {  	[sflag:s8] =	ssyncset.s32 @!p0 $0xFFFFF086;
	s6 =	sadd.s32 @!p0 s3, s7;
	s7 =	simm.s32 @!p0 $0x108  }
0x21: {  	s3 =	sadd.s32 s3, s9;
	s6 =	sadd.s32 @!p0 $0x88, s6;
	s7 =	simm.s32 @p2 $0x1082  }
0x22: {  	[simem:s7], [sflag:s8] =	dma.local @!p0 [hbm:s6], $0xF7A  }
0x23: {  	s9 =	sor.u32 $0xD0000000, s2;
	s6 =	simm.s32 $0x108;
	_ =	swait.ge @!p0 [sflag:s8], $0x0  }
0x24: {  	s3 =	sadd.s32 $0x88, s3;
	s6 =	simm.s32 @!p1 $0x1082;
	[sflag:s4] =	ssyncset.s32 $0xFFFFF086  }
0x25: {  	[simem:s6], [sflag:s4] =	dma.local [hbm:s3], $0xF7A  }
0x26: {  	[smem:$0x3F9D] =	sst s1;
	(tag) =	ssettag s2;
	_ =	strace s9  }
0x27: {  	s1 =	sld [smem:$0x3FAD]  }
0x28: {  	s2 =	sld [smem:$0x3FAE]  }
0x29: {  	s4 =	sld [smem:$0x3FB0]  }
0x2a: {  	p0 =	seq.s32 s5, $0x0;
	s5 =	sld [smem:$0x3FB1]  }
0x2b: {  	s6 =	sld [smem:$0x3FB2]  }
0x2c: {  	s7 =	sld [smem:$0x3FB3]  }
0x2d: {  	s3 =	simm.s32 $0x108;
	s8 =	sld [smem:$0x3FB4]  }
0x2e: {  	s3 =	simm.s32 @!p0 $0x1082;
	s9 =	sld [smem:$0x3FB5]  }
0x2f: {  	lr =	sadd.s32 s0, s3;
	s0 =	sld [smem:$0x3FAC]  }
0x30: {  	s3 =	sld [smem:$0x3FAF]  }
0x31: {  	[smem:$0x3FB8] =	sst s10  }
0x32: {  	s10 =	sld [smem:$0x3FB6];
	_ =	sdelay $0x3  }
0x33: {  	p0 =	seq.s32 s10, $0x1;
	s10 =	sld [smem:$0x3FB8];
	_ =	sdelay $0x3  }
0x34: {  	[smem:$0x3FB8] =	sst s10  }
0x35: {  	s10 =	sld [smem:$0x3FB7];
	_ =	sdelay $0x3  }
0x36: {  	p1 =	seq.s32 s10, $0x1;
	s10 =	sld [smem:$0x3FB8];
	_ =	sdelay $0x3  }
0x37: {  	[smem:$0x3FB8] =	sst s10  }
0x38: {  	s10 =	sld [smem:$0x3FB9]  }
0x39: {  	_ = 	snop;
	(pc) =	sbr.ind lr, $3  }
0x3a: {  	_ = 	snop  }
0x3b: {  	_ = 	snop  }
0x3c: {  	p2 =	seq.s32 s10, $0x1;
	s10 =	sld [smem:$0x3FB8]  }
0x3d: {  	_ =	shalt  }
0x3e: {  	_ =	shalt  }
0x3f: {  	_ =	shalt  }
0x40: {  	_ =	shalt  }
0x41: {  	_ =	shalt  }
0x42: {  	_ =	shalt  }
0x43: {  	_ =	shalt  }
0x44: {  	_ =	shalt  }
0x45: {  	_ =	shalt  }
0x46: {  	_ =	shalt  }
0x47: {  	_ =	shalt  }
0x48: {  	_ =	shalt  }
0x49: {  	_ =	shalt  }
0x4a: {  	_ =	shalt  }
0x4b: {  	_ =	shalt  }
0x4c: {  	_ =	shalt  }
0x4d: {  	_ =	shalt  }
0x4e: {  	_ =	shalt  }
0x4f: {  	_ =	shalt  }
0x50: {  	_ =	shalt  }
0x51: {  	_ =	shalt  }
0x52: {  	_ =	shalt  }
0x53: {  	_ =	shalt  }
0x54: {  	_ =	shalt  }
0x55: {  	_ =	shalt  }
0x56: {  	_ =	shalt  }
0x57: {  	_ =	shalt  }
0x58: {  	_ =	shalt  }
0x59: {  	_ =	shalt  }
0x5a: {  	_ =	shalt  }
0x5b: {  	_ =	shalt  }
0x5c: {  	_ =	shalt  }
0x5d: {  	_ =	shalt  }
0x5e: {  	_ =	shalt  }
0x5f: {  	_ =	shalt  }
0x60: {  	_ =	shalt  }
0x61: {  	_ =	shalt  }
0x62: {  	_ =	shalt  }
0x63: {  	_ =	shalt  }
0x64: {  	_ =	shalt  }
0x65: {  	_ =	shalt  }
0x66: {  	_ =	shalt  }
0x67: {  	_ =	shalt  }
0x68: {  	_ =	shalt  }
0x69: {  	_ =	shalt  }
0x6a: {  	_ =	shalt  }
0x6b: {  	_ =	shalt  }
0x6c: {  	_ =	shalt  }
0x6d: {  	_ =	shalt  }
0x6e: {  	_ =	shalt  }
0x6f: {  	_ =	shalt  }
0x70: {  	_ =	shalt  }
0x71: {  	_ =	shalt  }
0x72: {  	_ =	shalt  }
0x73: {  	_ =	shalt  }
0x74: {  	_ =	shalt  }
0x75: {  	_ =	shalt  }
0x76: {  	_ =	shalt  }
0x77: {  	_ =	shalt  }
0x78: {  	_ =	shalt  }
0x79: {  	_ =	shalt  }
0x7a: {  	_ =	shalt  }
0x7b: {  	_ =	shalt  }
0x7c: {  	_ =	shalt  }
0x7d: {  	_ =	shalt  }
0x7e: {  	_ =	shalt  }
0x7f: {  	_ =	shalt  }
0x80: {  	_ =	shalt  }
0x81: {  	_ =	shalt  }
0x82: {  	_ =	shalt  }
0x83: {  	_ =	shalt  }
0x84: {  	_ =	shalt  }
0x85: {  	_ =	shalt  }
0x86: {  	_ =	shalt  }
0x87: {  	_ =	shalt  }
.Lfunc_end0:
.L_simem_size_0:
called_computation_lowered:
.L_overlay_start_0:
0x88: {  	s2 =	sld [smem:$0x3FD9]  }
0x89: {  	s3 =	sld [smem:$0x3FFE];
	_ =	sdelay $0x1  }
0x8a: {  	s1 =	srdreg.scid  }
0x8b: {  	s0 =	sand.u32 $0x1, s1  }
0x8c: {  	s17 =	sshll.u32 s0, $0xA;
	s2 =	sadd.s32 s3, s2  }
0x8d: {  	s2 =	sadd.s32 s2, s17  }
0x8e: {  	[smem:$0x3FC4] =	sst s2  }
0x8f: {  	_ = 	snop  }
0x90: {  	s2 =	sld [smem:$0x3FC8]  }
0x91: {  	s18 =	sld [smem:$0x3FD0];
	(tm) =	ssettm $0x1  }
0x92: {  	s4 =	sld [smem:$0x3FFB];
	_ =	sdelay $0x3  }
0x93: {  	_ =	strace s4  }
0x94: {  	s4 =	sld [smem:$0x3FFC];
	_ =	sdelay $0x3  }
0x95: {  	_ =	strace s4  }
0x96: {  	s4 =	sld [smem:$0x3FFD];
	_ =	sdelay $0x3  }
0x97: {  	_ =	strace s4  }
0x98: {  	_ =	strace $0x8FFFFFFF  }
0x99: {  	s19 =	sld [smem:$0x3FDB];
	_ =	sdelay $0x1  }
0x9a: {  	s5 =	simm.s32 $_scs_section_size  }
0x9b: {  	s6 =	simm.s32 $_size__tile_overlayer_lowered;
	s7 =	simm.s32 $_tile_overlayer_lowered  }
0x9c: {  	s22 =	simm.s32 $0x1BFF;
	s21 =	sshll.u32 s7, $0x1;
	s4 =	sadd.s32 s5, s19  }
0x9d: {  	s8 =	simm.s32 $0x0;
	s20 =	sshll.u32 s6, $0x1;
	s6 =	sadd.s32 s21, s4  }
0x9e: {  	[timem:s8], [sflag:s22] =	dma.local [hbm:s6], s20  }
0x9f: {  	_ =	swait.ge [sflag:s22], s20  }
0xa0: {  	s5 =	ssub.s32 $0x0, s20;
	[sflag:s22] =	ssyncset.done $0x0  }
0xa1: {  	[sflag:s22] =	ssyncadd.s32 s5;
	_ =	sdelay $0x1  }
0xa2: {  	s23 =	simm.s32 $0x1B8B  }
0xa3: {  	_ =	swait.ge [sflag:s23], $0x1  }
0xa4: {  	[sflag:s23] =	ssyncset.done $0x0  }
0xa5: {  	s25 =	simm.s32 $0x1B8E;
	s24 =	sld [smem:$0x3FFE];
	[sflag:s23] =	ssyncadd.s32 $0xFFFFFFFF  }
0xa6: {  	s26 =	simm.s32 $execute0_lowered;
	[smem:$0x3FD2] =	sst s25  }
0xa7: {  	s6 =	sshll.u32 s26, $0x1;
	_ =	strace $0x80000046;
	[dreg:$0x1] =	wrdreg $0xFFFFFFFF  }
0xa8: {  	s28 =	simm.s32 $_size_execute0_lowered;
	s4 =	sadd.s32 s4, s6;
	[dreg:$0x0] =	wrdreg $0x0  }
0xa9: {  	s6 =	sshll.u32 s28, $0x1;
	[dreg:$0x2] =	wrdreg s4  }
0xaa: {  	[dreg:$0x3] =	wrdreg s6  }
0xab: {  	[dreg:$0x4] =	wrdreg $0xC0  }
0xac: {  	_ =	task [dreg:s8], $0x5FFFF  }
0xad: {  	[dreg:$0x1] =	wrdreg $0xFFFFFFFF  }
0xae: {  	[dreg:$0x0] =	wrdreg $0x60  }
0xaf: {  	[dreg:$0x2] =	wrdreg s2  }
0xb0: {  	[dreg:$0x3] =	wrdreg s18  }
0xb1: {  	[dreg:$0x4] =	wrdreg s24  }
0xb2: {  	[dreg:$0x5] =	wrdreg $0x9  }
0xb3: {  	_ =	task.clear_ibuf [dreg:s8], $0x6FFFF;
	_ =	strace $0x90000046  }
0xb4: {  	s29 =	simm.s32 $0x9;
	_ =	strace $0x80000048  }
0xb5: {  	_ =	swait.ge [sflag:s29], $0x1  }
0xb6: {  	[sflag:s29] =	ssyncadd.s32 $0xFFFFFFFF  }
0xb7: {  	_ =	strace $0x90000048  }
0xb8: {  	_ =	sfence  }
0xb9: {  	s30 =	sld [smem:$0x0];
	_ =	sdelay $0x2  }
0xba: {  	s31 =	sshll.u32 s1, $0xD;
	s1 =	sshrl.u32 s1, $0x2  }
0xbb: {  	s3 =	sand.u32 $0x4000, s31;
	s1 =	sadd.s32 s1, s30  }
0xbc: {  	s0 =	sor.u32 s3, s0;
	s1 =	sshll.u32 s1, $0x11  }
0xbd: {  	s0 =	sor.u32 s1, s0  }
0xbe: {  	s0 =	sadd.s32 $0x8F2B, s0  }
0xbf: {  	[sflag:s0] =	ssyncadd.remote.s32 $0x1  }
0xc0: {  	_ =	sfence.sel $0xFFFF  }
0xc1: {  	[dreg:$0x0] =	wrdreg $0xFFFFFFFF;
	(pc) =	sbr.abs _section_cstart, $3  }
0xc2: {  	[dreg:$0x1] =	wrdreg $0xFFFFFFFF  }
0xc3: {  	_ =	task.clear_ibuf [dreg:s8], $0x2FFFF;
	_ =	strace $0x9FFFFFFF  }
0xc4: {  	(tm) =	ssettm $0x7FFFFFFF  }
0xc5: {  	_ =	shalt  }
tec
execute0_lowered:
.L_overlay_start_1:
0x0: {  	(tag) =	ssettag $0x1  }
0x1: {  	s0 =	srdreg.scid;
	s1 =	rddreg [dreg:$0x0]  }
0x2: {  	s2 =	stileid.u32;
	s4 =	rddreg [dreg:$0x1]  }
0x3: {  	s5 =	rddreg [dreg:$0x2];
	s24 =	simm.s32 $0xC00;
	s25 =	simm.s32 $0x1400  }
0x4: {  	s26 =	simm.s32 $0x1C00;
	s8 =	simm.s32 $0x1;
	s9 =	simm.s32 $0x400  }
0x5: {  	s10 =	simm.s32 $0x2400;
	s11 =	simm.s32 $0x2C00;
	s12 =	simm.s32 $0x3400  }
0x6: {  	s13 =	simm.s32 $0x3C00;
	s14 =	simm.s32 $0x4400;
	s15 =	simm.s32 $0x4C00  }
0x7: {  	s16 =	simm.s32 $0x5400;
	s17 =	simm.s32 $0x5C00;
	s18 =	simm.s32 $0x6400  }
0x8: {  	s19 =	simm.s32 $0x6C00;
	s20 =	simm.s32 $0x7400;
	s21 =	simm.s32 $0x7C00  }
0x9: {  	s28 =	simm.s32 $0xAC00;
	s29 =	simm.s32 $0xB400;
	s0 =	sand.u32 $0x1, s0  }
0xa: {  	s30 =	simm.s32 $0xBC00;
	s2 =	sshll.u32 s2, $0xB;
	s3 =	sshll.u32 s0, $0xA  }
0xb: {  	s31 =	simm.s32 $0x0;
	s0 =	ssub.s32 $0x2, s0;
	s2 =	sor.u32 s3, s2  }
0xc: {  	s3 =	simm.s32 $0x0;
	s22 =	sshrl.u32 s0, $0x1;
	s2 =	sshrl.u32 s2, $0x3  }
0xd: {  	[smem:$0x7FF] =	sst s3;
	s0 =	ssub.s32 s0, s22;
	s22 =	simm.s32 $0x8400  }
0xe: {  	s6 =	smul.u32 $0x300, s2;
	_ =	strace $0x80000047;
	[dreg:$0x5] =	wrdreg s24  }
0xf: {  	s2 =	sadd.s32 s4, s2;
	s0 =	smax.u32 s0, $0x1;
	[dreg:$0x6] =	wrdreg s25  }
0x10: {  	[dreg:$0x7] =	wrdreg s26;
	s24 =	simm.s32 $0x9400;
	s25 =	simm.s32 $0x9C00  }
0x11: {  	v2 =	vlaneseq.u32;
	s26 =	simm.s32 $0xA400;
	[dreg:$0x8] =	wrdreg s2;
	s5 =	sadd.s32 s6, s5  }
0x12: {  	vm0 =	vmmov $0xffff;
	v1 =	vshrl.u32 v2, $0x3;
	[dreg:$0x9] =	wrdreg s0;
	s6 =	sadd.s32 $0x200, s1;
	s23 =	sadd.s32 $0x800, s5  }
0x13: {  	v0 =	vand.u32 $0x7, v2;
	v2 =	vor.u32 $0x8, v2;
	v1 =	vmul.u32 $0x8, v1;
	s5 =	sadd.s32 $0x100, s1;
	[dreg:$0x4] =	wrdreg s23;
	s23 =	simm.s32 $0x8C00  }
.LBB2_1:
0x14: {  	s0 =	rddreg [dreg:$0x8]  }
0x15: {  	[tilespmem:s3], [sflag:$0x1] =	stream.linear.gather [hbm4b:s0+s3], $0x400, $0x38;
	[tilespmem:$0xC400] =	vst v63  }
0x16: {  	_ =	swait.ge [sflag:s8], $0x400  }
0x17: {  	[sflag:s8] =	ssyncset.done $0x0  }
0x18: {  	s2 =	simm.s32 $0x20;
	s0 =	simm.s32 $0x0;
	[sflag:s8] =	ssyncadd.s32 $0xFFFFFC00  }
.LBB2_2:
0x19: {  	v3 =	vld [tilespmem:s2+$0xFFFFFFE0];
	_ =	sdelay $0x4  }
0x1a: {  	v4 =	vshrl.u32 v3, $0x3  }
0x1b: {  	v4 =	vmul.u32 $0x30, v4  }
0x1c: {  	v3 =	vand.u32 $0x7, v3  }
0x1d: {  	v3 =	vor.u32 v3, v4  }
0x1e: {  	v4 =	vperm.xlane v3, v0;
	_ =	sdelay $0x1  }
0x1f: {  	v4 =	vadd.s32 v1, v4;
	_ =	sdelay $0x3  }
0x20: {  	v3 =	vperm.xlane v3, v2  }
0x21: {  	[tilespmem:s9], [sflag:$0x1] =	stream.indirect_vreg.gather [hbm4b:s1+s3], $0x80, v4, vm0, $0xb8;
	[tilespmem:$0xC400] =	vst v63  }
0x22: {  	s4 =	rddreg [dreg:$0x5];
	v3 =	vadd.s32 v1, v3  }
0x23: {  	[tilespmem:s4], [sflag:$0x1] =	stream.indirect_vreg.gather [hbm4b:s5+s3], $0x80, v4, vm0, $0xb8;
	[tilespmem:$0xC400] =	vst v63  }
0x24: {  	s7 =	rddreg [dreg:$0x6]  }
0x25: {  	[tilespmem:s7], [sflag:$0x1] =	stream.indirect_vreg.gather [hbm4b:s6+s3], $0x80, v4, vm0, $0xb8;
	[tilespmem:$0xC400] =	vst v63  }
0x26: {  	s4 =	rddreg [dreg:$0x7]  }
0x27: {  	[tilespmem:s4], [sflag:$0x1] =	stream.indirect_vreg.gather [hbm4b:s1+s3], $0x80, v3, vm0, $0xb8;
	[tilespmem:$0xC400] =	vst v63  }
0x28: {  	_ = 	snop  }
0x29: {  	[tilespmem:s10], [sflag:$0x1] =	stream.indirect_vreg.gather [hbm4b:s5+s3], $0x80, v3, vm0, $0xb8;
	[tilespmem:$0xC400] =	vst v63  }
0x2a: {  	_ = 	snop  }
0x2b: {  	[tilespmem:s11], [sflag:$0x1] =	stream.indirect_vreg.gather [hbm4b:s6+s3], $0x80, v3, vm0, $0xb8;
	[tilespmem:$0xC400] =	vst v63  }
0x2c: {  	v3 =	vld [tilespmem:s2+$0xFFFFFFF0];
	_ =	sdelay $0x4  }
0x2d: {  	v61 =	vshrl.u32 v3, $0x3  }
0x2e: {  	v4 =	vmul.u32 $0x30, v61  }
0x2f: {  	v3 =	vand.u32 $0x7, v3  }
0x30: {  	v3 =	vor.u32 v3, v4  }
0x31: {  	v4 =	vperm.xlane v3, v0;
	_ =	sdelay $0x1  }
0x32: {  	v4 =	vadd.s32 v1, v4;
	_ =	sdelay $0x3  }
0x33: {  	v3 =	vperm.xlane v3, v2  }
0x34: {  	[tilespmem:s12], [sflag:$0x1] =	stream.indirect_vreg.gather [hbm4b:s1+s3], $0x80, v4, vm0, $0xb8;
	[tilespmem:$0xC400] =	vst v63  }
0x35: {  	v3 =	vadd.s32 v1, v3  }
0x36: {  	[tilespmem:s13], [sflag:$0x1] =	stream.indirect_vreg.gather [hbm4b:s5+s3], $0x80, v4, vm0, $0xb8;
	[tilespmem:$0xC400] =	vst v63  }
0x37: {  	_ = 	snop  }
0x38: {  	[tilespmem:s14], [sflag:$0x1] =	stream.indirect_vreg.gather [hbm4b:s6+s3], $0x80, v4, vm0, $0xb8;
	[tilespmem:$0xC400] =	vst v63  }
0x39: {  	_ = 	snop  }
0x3a: {  	[tilespmem:s15], [sflag:$0x1] =	stream.indirect_vreg.gather [hbm4b:s1+s3], $0x80, v3, vm0, $0xb8;
	[tilespmem:$0xC400] =	vst v63  }
0x3b: {  	_ = 	snop  }
0x3c: {  	[tilespmem:s16], [sflag:$0x1] =	stream.indirect_vreg.gather [hbm4b:s5+s3], $0x80, v3, vm0, $0xb8;
	[tilespmem:$0xC400] =	vst v63  }
0x3d: {  	_ = 	snop  }
0x3e: {  	[tilespmem:s17], [sflag:$0x1] =	stream.indirect_vreg.gather [hbm4b:s6+s3], $0x80, v3, vm0, $0xb8;
	[tilespmem:$0xC400] =	vst v63  }
0x3f: {  	v3 =	vld [tilespmem:s2+$0x0];
	_ =	sdelay $0x4  }
0x40: {  	v62 =	vshrl.u32 v3, $0x3  }
0x41: {  	v4 =	vmul.u32 $0x30, v62  }
0x42: {  	v3 =	vand.u32 $0x7, v3  }
0x43: {  	v3 =	vor.u32 v3, v4  }
0x44: {  	v4 =	vperm.xlane v3, v0;
	_ =	sdelay $0x1  }
0x45: {  	v4 =	vadd.s32 v1, v4;
	_ =	sdelay $0x3  }
0x46: {  	v3 =	vperm.xlane v3, v2  }
0x47: {  	[tilespmem:s18], [sflag:$0x1] =	stream.indirect_vreg.gather [hbm4b:s1+s3], $0x80, v4, vm0, $0xb8;
	[tilespmem:$0xC400] =	vst v63  }
0x48: {  	v3 =	vadd.s32 v1, v3  }
0x49: {  	[tilespmem:s19], [sflag:$0x1] =	stream.indirect_vreg.gather [hbm4b:s5+s3], $0x80, v4, vm0, $0xb8;
	[tilespmem:$0xC400] =	vst v63  }
0x4a: {  	_ = 	snop  }
0x4b: {  	[tilespmem:s20], [sflag:$0x1] =	stream.indirect_vreg.gather [hbm4b:s6+s3], $0x80, v4, vm0, $0xb8;
	[tilespmem:$0xC400] =	vst v63  }
0x4c: {  	_ = 	snop  }
0x4d: {  	[tilespmem:s21], [sflag:$0x1] =	stream.indirect_vreg.gather [hbm4b:s1+s3], $0x80, v3, vm0, $0xb8;
	[tilespmem:$0xC400] =	vst v63  }
0x4e: {  	_ = 	snop  }
0x4f: {  	[tilespmem:s22], [sflag:$0x1] =	stream.indirect_vreg.gather [hbm4b:s5+s3], $0x80, v3, vm0, $0xb8;
	[tilespmem:$0xC400] =	vst v63  }
0x50: {  	_ = 	snop  }
0x51: {  	[tilespmem:s23], [sflag:$0x1] =	stream.indirect_vreg.gather [hbm4b:s6+s3], $0x80, v3, vm0, $0xb8;
	[tilespmem:$0xC400] =	vst v63  }
0x52: {  	v3 =	vld [tilespmem:s2+$0x10];
	_ =	sdelay $0x4  }
0x53: {  	v63 =	vshrl.u32 v3, $0x3  }
0x54: {  	v4 =	vmul.u32 $0x30, v63  }
0x55: {  	v3 =	vand.u32 $0x7, v3  }
0x56: {  	v3 =	vor.u32 v3, v4  }
0x57: {  	v4 =	vperm.xlane v3, v0;
	_ =	sdelay $0x1  }
0x58: {  	v4 =	vadd.s32 v1, v4;
	_ =	sdelay $0x3  }
0x59: {  	v3 =	vperm.xlane v3, v2  }
0x5a: {  	[tilespmem:s24], [sflag:$0x1] =	stream.indirect_vreg.gather [hbm4b:s1+s3], $0x80, v4, vm0, $0xb8;
	[tilespmem:$0xC400] =	vst v63  }
0x5b: {  	v3 =	vadd.s32 v1, v3  }
0x5c: {  	[tilespmem:s25], [sflag:$0x1] =	stream.indirect_vreg.gather [hbm4b:s5+s3], $0x80, v4, vm0, $0xb8;
	[tilespmem:$0xC400] =	vst v63  }
0x5d: {  	_ = 	snop  }
0x5e: {  	[tilespmem:s26], [sflag:$0x1] =	stream.indirect_vreg.gather [hbm4b:s6+s3], $0x80, v4, vm0, $0xb8;
	[tilespmem:$0xC400] =	vst v63  }
0x5f: {  	_ = 	snop  }
0x60: {  	[tilespmem:s28], [sflag:$0x1] =	stream.indirect_vreg.gather [hbm4b:s1+s3], $0x80, v3, vm0, $0xb8;
	[tilespmem:$0xC400] =	vst v63  }
0x61: {  	_ = 	snop  }
0x62: {  	[tilespmem:s29], [sflag:$0x1] =	stream.indirect_vreg.gather [hbm4b:s5+s3], $0x80, v3, vm0, $0xb8;
	[tilespmem:$0xC400] =	vst v63  }
0x63: {  	_ = 	snop  }
0x64: {  	[tilespmem:s30], [sflag:$0x1] =	stream.indirect_vreg.gather [hbm4b:s6+s3], $0x80, v3, vm0, $0xb8;
	[tilespmem:$0xC400] =	vst v63  }
0x65: {  	_ =	swait.ge [sflag:s8], $0xC000  }
0x66: {  	p0 =	sne.s32 s0, $0x16800;
	s7 =	rddreg [dreg:$0x4];
	[sflag:s8] =	ssyncset.done $0x0  }
.Ltmp0:
0x67: {  	[sflag:s8] =	ssyncadd.s32 $0xFFFF4000;
	s4 =	sadd.s32 s0, s7;
	(pc) =	sbr.rel @p0 .LBB2_2-.Ltmp0, $4  }
0x68: {  	[hbm4b:s4+s3] =	stream.linear.scatter [tilespmem:s9], [sflag:$0x1], $0xC000, $0x38;
	[tilespmem:$0xC400] =	vst v63  }
0x69: {  	_ =	swait.ge [sflag:s8], $0xC000  }
0x6a: {  	[sflag:s8] =	ssyncset.done $0x0  }
0x6b: {  	s2 =	sadd.s32 $0x40, s2;
	s0 =	sadd.s32 $0x1800, s0;
	[sflag:s8] =	ssyncadd.s32 $0xFFFF4000  }
0x6c: {  	s31 =	sadd.s32 $0x1, s31;
	s0 =	rddreg [dreg:$0x9]  }
0x6d: {  	p0 =	sne.s32 s31, s0  }
.Ltmp1:
0x6e: {  	_ = 	snop;
	(pc) =	sbr.rel @p0 .LBB2_1-.Ltmp1, $1  }
0x6f: {  	_ =	sdelay $0x3  }
0x70: {  	_ =	sfence.sel $0x180000  }
0x71: {  	[bflag:$0x0] =	sbarrier.arrive $0xFFFF  }
0x72: {  	_ =	strace $0x90000047  }
0x73: {  	s0 =	stileid.u32;
	[bflag:$0x2] =	sbarrier.arrive $0xFFFF  }
0x74: {  	p0 =	sne.s32 s0, $0x0;
	s0 =	rddreg [dreg:$0x3]  }
0x75: {  	s0 =	sadd.s32 @!p0 $0x100000, s0  }
0x76: {  	[sflag:s0] =	ssyncadd.tile.s32 @!p0 $0x1;
	_ =	shalt  }
.Lfunc_end2:
_tile_overlayer_lowered:
.L_overlay_start_2:
0x77: {  	(tag) =	ssettag $0x2  }
0x78: {  	s0 =	rddreg [dreg:$0x0];
	s2 =	stileid.u32  }
0x79: {  	s1 =	rddreg [dreg:$0x1];
	p0 =	sne.s32 s2, $0x0  }
0x7a: {  	s3 =	rddreg [dreg:$0x2];
	[bflag:$0x3] =	sbarrier.arrive $0xFFFF;
	s2 =	simm.s32 @!p0 $0x1C01  }
0x7b: {  	[timem:s3], [sflag:s2] =	dma.local @!p0 [hbm:s0], s1  }
0x7c: {  	s0 =	simm.s32 @!p0 $0x1  }
0x7d: {  	_ =	swait.ge @!p0 [sflag:s0], s1  }
0x7e: {  	s1 =	ssub.s32 @!p0 $0x0, s1;
	[sflag:s0] =	ssyncset.done @!p0 $0x0  }
0x7f: {  	[sflag:s0] =	ssyncadd.s32 @!p0 s1  }
0x80: {  	[bflag:$0x3] =	sbarrier.arrive $0xFFFF  }
0x81: {  	_ =	shalt  }

</sc_bundles>
